<compile_context>
chip_gen: v7x
topology: tpu7x:2x2x1
jax: 0.10.2.dev20260603
libtpu: 0.0.44.dev20260713+nightly
codegen_flags: <defaults>
</compile_context>

<pallas_src>
import functools
import jax
import jax.numpy as jnp
from jax import lax
from jax.experimental import pallas as pl
from jax.experimental.pallas import tpu as pltpu
from jax.experimental.pallas import tpu_sc as plsc

N = 50000
D_IN = 256
D_OUT = 256
N_STEPS = 1000
ROWS = 5000

NW = 32
B_PAD = 51200
B_PER_W = B_PAD // NW
CHUNK = 200


def _sc_gather(idx_hbm, table_hbm, out_hbm, idx_v, rows_v, sem):
    wid = lax.axis_index("s") * 2 + lax.axis_index("c")
    base = wid * B_PER_W

    def body(j, _):
        off = base + j * CHUNK
        pltpu.sync_copy(idx_hbm.at[pl.ds(off, CHUNK)], idx_v)
        pltpu.async_copy(table_hbm.at[idx_v], rows_v, sem).wait()
        pltpu.sync_copy(rows_v, out_hbm.at[pl.ds(off, CHUNK)])
        return _

    lax.fori_loop(0, B_PER_W // CHUNK, body, 0)


def _tc_kernel(x_ref, g_ref, wt_ref, b_ref, o_ref):
    acc = jnp.dot(x_ref[...].astype(jnp.bfloat16), wt_ref[...],
                  preferred_element_type=jnp.float32)
    acc = acc + b_ref[...]
    u = (g_ref[...] * acc) * jnp.float32(1.4426950408889634)
    m = jnp.maximum(u, 0.0)
    e = jnp.exp2(u - (m + m))
    o_ref[...] = (m + jnp.log2(1.0 + e)) * jnp.float32(0.6931471805599453)


def kernel(x, t, W, b, time_embed):
    idx = jnp.pad(t.astype(jnp.int32), (0, B_PAD - N))
    mesh = plsc.VectorSubcoreMesh(core_axis_name="c", subcore_axis_name="s")
    gather = functools.partial(
        pl.kernel,
        mesh=mesh,
        out_type=jax.ShapeDtypeStruct((B_PAD, D_OUT), jnp.float32),
        scratch_types=[
            pltpu.VMEM((CHUNK,), jnp.int32),
            pltpu.VMEM((CHUNK, D_OUT), jnp.float32),
            pltpu.SemaphoreType.DMA,
        ],
    )(_sc_gather)
    gamma = gather(idx, time_embed)

    wt = W.T.astype(jnp.bfloat16)
    b2 = b.reshape(1, D_OUT)
    grid = (N // ROWS,)
    return pl.pallas_call(
        _tc_kernel,
        grid=grid,
        in_specs=[
            pl.BlockSpec((ROWS, D_IN), lambda i: (i, 0)),
            pl.BlockSpec((ROWS, D_OUT), lambda i: (i, 0)),
            pl.BlockSpec((D_IN, D_OUT), lambda i: (0, 0)),
            pl.BlockSpec((1, D_OUT), lambda i: (0, 0)),
        ],
        out_specs=pl.BlockSpec((ROWS, D_OUT), lambda i: (i, 0)),
        out_shape=jax.ShapeDtypeStruct((N, D_OUT), jnp.float32),
        compiler_params=pltpu.CompilerParams(
            dimension_semantics=("arbitrary",),
        ),
    )(x, gamma, wt, b2)

# --- scband reference (transcript-rebuilt; emitter-appended) ---
"""Pipeline reference for scband-conditional-graph-augmented-linear-28329604284673 (READ-ONLY COPY).

The authoritative reference and input builder live on the scoring server;
editing this copy changes nothing except your own understanding.
"""

import jax, jax.numpy as jnp
import numpy as np

N = 50000
NUM_IN = 256
NUM_OUT = 256
N_STEPS = 1000

def setup_inputs(seed: int = 0) -> dict:
    key = jax.random.key(seed)
    k1, k2, k3, k4, k5 = jax.random.split(key, 5)
    x = jax.random.normal(k1, (N, NUM_IN), dtype=jnp.float32)
    t = jax.random.randint(k2, (N,), 0, N_STEPS, dtype=jnp.int64 if jax.config.jax_enable_x64 else jnp.int32)
    # nn.Linear(num_in, num_out): weight [num_out, num_in], bias [num_out]
    bound = 1.0 / np.sqrt(NUM_IN)
    W = jax.random.uniform(k3, (NUM_OUT, NUM_IN), minval=-bound, maxval=bound, dtype=jnp.float32)
    b = jax.random.uniform(k4, (NUM_OUT,), minval=-bound, maxval=bound, dtype=jnp.float32)
    # nn.Embedding(n_steps, num_out) with weight.data.uniform_() -> U[0,1)
    time_embed = jax.random.uniform(k5, (N_STEPS, NUM_OUT), dtype=jnp.float32)
    return {"x": x, "t": t, "W": W, "b": b, "time_embed": time_embed}

def reference(x, t, W, b, time_embed):
    # y is None and z is None path of ConditionalGraphAugmentedLinear.forward
    # x.squeeze(-1) is a no-op since last dim != 1
    out = x @ W.T + b
    gamma = jnp.take(time_embed, t, axis=0).reshape(-1, NUM_OUT)
    out = gamma * out
    out = jax.nn.softplus(out)
    return out

if __name__ == "__main__":
    import jax
    _d = setup_inputs()
    print(jax.jit(kernel)(*tuple(_d.values())))

</pallas_src>

<mosaic_0001>
#map = affine_map<(d0, d1) -> (0)>
#map1 = affine_map<(d0, d1) -> (0, 0)>
module attributes {stable_mosaic.version = 14 : i64} {
  func.func @_sc_gather(%arg0: i32, %arg1: i32, %arg2: memref<51200xi32, #tpu.memory_space<hbm>>, %arg3: memref<1000x256xf32, #tpu.memory_space<hbm>>, %arg4: memref<51200x256xf32, #tpu.memory_space<hbm>>, %arg5: memref<200xi32, #tpu.memory_space<vmem>>, %arg6: memref<200x256xf32, #tpu.memory_space<vmem>>, %arg7: memref<!tpu.dma_semaphore, #tpu.memory_space<semaphore_mem>>) attributes {dimension_semantics = [#tpu.dimension_semantics<core_parallel>, #tpu.dimension_semantics<subcore_parallel>], iteration_bounds = array<i64: 2, 16>, scalar_prefetch = 0 : i64, scratch_operands = 3 : i64, tpu.core_type = #tpu.core_type<sc_vector_subcore>, window_params = [{transform_indices = #map}, {transform_indices = #map1}, {transform_indices = #map1}]} {
    %mul3A = arith.constant 2 : i32
    %mul3A_0 = arith.muli %arg1, %mul3A : i32
    %add3A = arith.addi %mul3A_0, %arg0 : i32
    %mul3A_1 = arith.constant 1600 : i32
    %mul3A_2 = arith.muli %add3A, %mul3A_1 : i32
    %scan3A = arith.constant 0 : i32
    %scan3A_3 = arith.constant 0 : i32
    %scan3A_4 = arith.constant 8 : i32
    %scan3A_5 = arith.addi %scan3A_3, %scan3A_4 : i32
    %scan3A_6 = arith.constant 1 : i32
    scf.for %scan3A_8 = %scan3A_3 to %scan3A_5 step %scan3A_6  : i32 {
      %mul3A_9 = arith.constant 200 : i32
      %mul3A_10 = arith.muli %scan3A_8, %mul3A_9 : i32
      %add3A_11 = arith.addi %mul3A_2, %mul3A_10 : i32
      "tpu.region"() ({
        %run_scoped3A = tpu.sem_alloc : memref<!tpu.dma_semaphore, #tpu.memory_space<semaphore_mem>>
        %dma_start3A_16 = tpu.memref_slice %arg2[%add3A_11] : memref<51200xi32, #tpu.memory_space<hbm>> -> memref<200xi32, #tpu.memory_space<hbm>>
        %dma_start3A_17 = tpu.memref_slice %arg2[%add3A_11] : memref<51200xi32, #tpu.memory_space<hbm>> -> memref<200xi32, #tpu.memory_space<hbm>>
        tpu.enqueue_dma source(%dma_start3A_17 : memref<200xi32, #tpu.memory_space<hbm>>) target(%arg5 : memref<200xi32, #tpu.memory_space<vmem>>) target_semaphore(%run_scoped3A : memref<!tpu.dma_semaphore, #tpu.memory_space<semaphore_mem>>)
        %dma_wait3A_18 = tpu.memref_slice %arg2[%add3A_11] : memref<51200xi32, #tpu.memory_space<hbm>> -> memref<200xi32, #tpu.memory_space<hbm>>
        %dma_wait3A_19 = tpu.memref_slice %arg2[%add3A_11] : memref<51200xi32, #tpu.memory_space<hbm>> -> memref<200xi32, #tpu.memory_space<hbm>>
        tpu.wait_dma2 semaphore(%run_scoped3A : memref<!tpu.dma_semaphore, #tpu.memory_space<semaphore_mem>>) src(%dma_wait3A_19 : memref<200xi32, #tpu.memory_space<hbm>>) dst(%arg5 : memref<200xi32, #tpu.memory_space<vmem>>)
        tpu.yield
      }) : () -> ()
      %dma_start3A = arith.constant 0 : i32
      %dma_start3A_12 = arith.constant 0 : i32
      %dma_start3A_13 = tpu.memref_slice %arg3[%dma_start3A, %dma_start3A_12] : memref<1000x256xf32, #tpu.memory_space<hbm>> -> memref<1000x256xf32, #tpu.memory_space<hbm>>
      tpu.enqueue_indirect_dma source(%dma_start3A_13 : memref<1000x256xf32, #tpu.memory_space<hbm>>) target(%arg6 : memref<200x256xf32, #tpu.memory_space<vmem>>) offsets(%arg5 : memref<200xi32, #tpu.memory_space<vmem>>) semaphore(%arg7 : memref<!tpu.dma_semaphore, #tpu.memory_space<semaphore_mem>>)
      %dma_wait3A = arith.constant 0 : i32
      %dma_wait3A_14 = arith.constant 0 : i32
      %dma_wait3A_15 = tpu.memref_slice %arg3[%dma_wait3A, %dma_wait3A_14] : memref<1000x256xf32, #tpu.memory_space<hbm>> -> memref<1000x256xf32, #tpu.memory_space<hbm>>
      tpu.wait_indirect_dma semaphore(%arg7 : memref<!tpu.dma_semaphore, #tpu.memory_space<semaphore_mem>>) src(%dma_wait3A_15 : memref<1000x256xf32, #tpu.memory_space<hbm>>) dst(%arg6 : memref<200x256xf32, #tpu.memory_space<vmem>>)
      "tpu.region"() ({
        %run_scoped3A = tpu.sem_alloc : memref<!tpu.dma_semaphore, #tpu.memory_space<semaphore_mem>>
        %dma_start3A_16 = arith.constant 0 : i32
        %dma_start3A_17 = tpu.memref_slice %arg4[%add3A_11, %dma_start3A_16] : memref<51200x256xf32, #tpu.memory_space<hbm>> -> memref<200x256xf32, #tpu.memory_space<hbm>>
        %dma_start3A_18 = arith.constant 0 : i32
        %dma_start3A_19 = tpu.memref_slice %arg4[%add3A_11, %dma_start3A_18] : memref<51200x256xf32, #tpu.memory_space<hbm>> -> memref<200x256xf32, #tpu.memory_space<hbm>>
        tpu.enqueue_dma source(%arg6 : memref<200x256xf32, #tpu.memory_space<vmem>>) target(%dma_start3A_19 : memref<200x256xf32, #tpu.memory_space<hbm>>) target_semaphore(%run_scoped3A : memref<!tpu.dma_semaphore, #tpu.memory_space<semaphore_mem>>)
        %dma_wait3A_20 = arith.constant 0 : i32
        %dma_wait3A_21 = tpu.memref_slice %arg4[%add3A_11, %dma_wait3A_20] : memref<51200x256xf32, #tpu.memory_space<hbm>> -> memref<200x256xf32, #tpu.memory_space<hbm>>
        %dma_wait3A_22 = arith.constant 0 : i32
        %dma_wait3A_23 = tpu.memref_slice %arg4[%add3A_11, %dma_wait3A_22] : memref<51200x256xf32, #tpu.memory_space<hbm>> -> memref<200x256xf32, #tpu.memory_space<hbm>>
        tpu.wait_dma2 semaphore(%run_scoped3A : memref<!tpu.dma_semaphore, #tpu.memory_space<semaphore_mem>>) src(%arg6 : memref<200x256xf32, #tpu.memory_space<vmem>>) dst(%dma_wait3A_23 : memref<200x256xf32, #tpu.memory_space<hbm>>)
        tpu.yield
      }) : () -> ()
    }
    %scan3A_7 = arith.constant 8 : i32
    return
  }
}

module attributes {stable_mosaic.version = 14 : i64} {
  func.func @_tc_kernel(%arg0: i32, %arg1: memref<5000x256xf32, #tpu.memory_space<vmem>>, %arg2: memref<5000x256xf32, #tpu.memory_space<vmem>>, %arg3: memref<256x256xbf16, #tpu.memory_space<vmem>>, %arg4: memref<1x256xf32, #tpu.memory_space<vmem>>, %arg5: memref<5000x256xf32, #tpu.memory_space<vmem>>) attributes {dimension_semantics = [#tpu.dimension_semantics<arbitrary>], iteration_bounds = array<i64: 10>, scalar_prefetch = 0 : i64, scratch_operands = 0 : i64, tpu.core_type = #tpu.core_type<tc>, window_params = [{transform_indices = @transform_0, window_bounds = array<i64: 5000, 256>}, {transform_indices = @transform_1, window_bounds = array<i64: 5000, 256>}, {pipeline_mode = #tpu.pipeline_mode<synchronous>, transform_indices = @transform_2, window_bounds = array<i64: 256, 256>}, {pipeline_mode = #tpu.pipeline_mode<synchronous>, transform_indices = @transform_3, window_bounds = array<i64: 1, 256>}, {transform_indices = @transform_4, window_bounds = array<i64: 5000, 256>}]} {
    %get3A = arith.constant 0 : index
    %get3A_0 = arith.constant 0 : index
    %get3A_1 = vector.load %arg1[%get3A, %get3A_0] : memref<5000x256xf32, #tpu.memory_space<vmem>>, vector<5000x256xf32>
    %convert_element_type3A = arith.truncf %get3A_1 : vector<5000x256xf32> to vector<5000x256xbf16>
    %get3A_2 = arith.constant 0 : index
    %get3A_3 = arith.constant 0 : index
    %get3A_4 = vector.load %arg3[%get3A_2, %get3A_3] : memref<256x256xbf16, #tpu.memory_space<vmem>>, vector<256x256xbf16>
    %dot_general3A = arith.constant dense<0.000000e+00> : vector<5000x256xf32>
    %dot_general3A_5 = tpu.matmul %convert_element_type3A, %get3A_4, %dot_general3A {dimension_numbers = #tpu.dot_dimension_numbers<[1], [0], [0], [1], [0, 0, 1, 1], [], []>, transpose_lhs_hint = false} : vector<5000x256xbf16>, vector<256x256xbf16>, vector<5000x256xf32> -> vector<5000x256xf32>
    %get3A_6 = arith.constant 0 : index
    %get3A_7 = arith.constant 0 : index
    %get3A_8 = vector.load %arg4[%get3A_6, %get3A_7] : memref<1x256xf32, #tpu.memory_space<vmem>>, vector<1x256xf32>
    %add3A = vector.broadcast %get3A_8 : vector<1x256xf32> to vector<5000x256xf32>
    %add3A_9 = arith.addf %dot_general3A_5, %add3A : vector<5000x256xf32>
    %get3A_10 = arith.constant 0 : index
    %get3A_11 = arith.constant 0 : index
    %get3A_12 = vector.load %arg2[%get3A_10, %get3A_11] : memref<5000x256xf32, #tpu.memory_space<vmem>>, vector<5000x256xf32>
    %mul3A = arith.mulf %get3A_12, %add3A_9 : vector<5000x256xf32>
    %mul3A_13 = arith.constant 1.44269502 : f32
    %mul3A_14 = vector.broadcast %mul3A_13 : f32 to vector<5000x256xf32>
    %mul3A_15 = arith.mulf %mul3A, %mul3A_14 : vector<5000x256xf32>
    %max3A = arith.constant 0.000000e+00 : f32
    %max3A_16 = vector.broadcast %max3A : f32 to vector<5000x256xf32>
    %max3A_17 = arith.maximumf %mul3A_15, %max3A_16 : vector<5000x256xf32>
    %add3A_18 = arith.addf %max3A_17, %max3A_17 : vector<5000x256xf32>
    %sub3A = arith.subf %mul3A_15, %add3A_18 : vector<5000x256xf32>
    %exp23A = math.exp2 %sub3A : vector<5000x256xf32>
    %add3A_19 = arith.constant 1.000000e+00 : f32
    %add3A_20 = vector.broadcast %add3A_19 : f32 to vector<5000x256xf32>
    %add3A_21 = arith.addf %add3A_20, %exp23A : vector<5000x256xf32>
    %log3A = math.log %add3A_21 : vector<5000x256xf32>
    %log3A_22 = arith.constant 2.000000e+00 : f32
    %log3A_23 = math.log %log3A_22 : f32
    %div3A = vector.broadcast %log3A_23 : f32 to vector<5000x256xf32>
    %div3A_24 = arith.divf %log3A, %div3A : vector<5000x256xf32>
    %add3A_25 = arith.addf %max3A_17, %div3A_24 : vector<5000x256xf32>
    %mul3A_26 = arith.constant 0.693147182 : f32
    %mul3A_27 = vector.broadcast %mul3A_26 : f32 to vector<5000x256xf32>
    %mul3A_28 = arith.mulf %add3A_25, %mul3A_27 : vector<5000x256xf32>
    %swap3A = arith.constant 0 : index
    %swap3A_29 = arith.constant 0 : index
    %swap3A_30 = vector.load %arg5[%swap3A, %swap3A_29] : memref<5000x256xf32, #tpu.memory_space<vmem>>, vector<5000x256xf32>
    tpu.vector_store %arg5[%swap3A, %swap3A_29], %mul3A_28 {strides = array<i32>} : memref<5000x256xf32, #tpu.memory_space<vmem>>, vector<5000x256xf32>,
    return
  }
  func.func @transform_0(%arg0: i32) -> (i32, i32) {
    %c0_i32 = arith.constant 0 : i32
    %c0_i32_0 = arith.constant 0 : i32
    return %arg0, %c0_i32 : i32, i32
  }
  func.func @transform_1(%arg0: i32) -> (i32, i32) {
    %c0_i32 = arith.constant 0 : i32
    %c0_i32_0 = arith.constant 0 : i32
    return %arg0, %c0_i32 : i32, i32
  }
  func.func @transform_2(%arg0: i32) -> (i32, i32) {
    %c0_i32 = arith.constant 0 : i32
    %c0_i32_0 = arith.constant 0 : i32
    %c0_i32_1 = arith.constant 0 : i32
    return %c0_i32, %c0_i32_0 : i32, i32
  }
  func.func @transform_3(%arg0: i32) -> (i32, i32) {
    %c0_i32 = arith.constant 0 : i32
    %c0_i32_0 = arith.constant 0 : i32
    %c0_i32_1 = arith.constant 0 : i32
    return %c0_i32, %c0_i32_0 : i32, i32
  }
  func.func @transform_4(%arg0: i32) -> (i32, i32) {
    %c0_i32 = arith.constant 0 : i32
    %c0_i32_0 = arith.constant 0 : i32
    return %arg0, %c0_i32 : i32, i32
  }
}

</mosaic_0001>

<sc_bundles>
// kernel: kernel.4.cloned.1.call-start
scs
__scs_entry_jumppad:
0x0: {  	(pc) =	sbr.rel $0x88, $3  }
0x1: {  	(tag) =	ssettag $0x0;
	lr =	simm.s32 $0x1  }
0x2: {  	[smem:$0x3F9C] =	sst lr;
	_ =	strace $0xD0000000  }
0x3: {  	_ = 	snop  }
0x4: {  	_ = 	snop  }
0x5: {  	_ = 	snop  }
0x6: {  	_ = 	snop  }
0x7: {  	_ = 	snop  }
__scs_overlays_trampoline_lowered:
0x8: {  	[smem:$0x3FAB] =	sst s0  }
0x9: {  	[smem:$0x3FAC] =	sst s1  }
0xa: {  	[smem:$0x3FAD] =	sst s2  }
0xb: {  	[smem:$0x3FAE] =	sst s3  }
0xc: {  	[smem:$0x3FAF] =	sst s4  }
0xd: {  	[smem:$0x3FB0] =	sst s5  }
0xe: {  	[smem:$0x3FB1] =	sst s6  }
0xf: {  	[smem:$0x3FB2] =	sst s7  }
0x10: {  	[smem:$0x3FB3] =	sst s8  }
0x11: {  	[smem:$0x3FB4] =	sst s9;
	s0 =	simm.s32 @!p0 $0x0  }
0x12: {  	s1 =	sld [smem:$0x3F9A];
	s0 =	simm.s32 @p0 $0x1  }
0x13: {  	[smem:$0x3FB5] =	sst s0;
	s0 =	simm.s32 @!p1 $0x0  }
0x14: {  	s2 =	sld [smem:$0x3F99];
	s0 =	simm.s32 @p1 $0x1  }
0x15: {  	[smem:$0x3FB6] =	sst s0;
	s0 =	simm.s32 @!p2 $0x0  }
0x16: {  	s3 =	sld [smem:$0x3FDB];
	s0 =	simm.s32 @p2 $0x1  }
0x17: {  	s4 =	simm.s32 $0x1BF5;
	[smem:$0x3FB8] =	sst s0  }
0x18: {  	s0 =	sld [smem:$0x3F9B];
	_ =	swait.ge [sflag:s4], $0x0  }
0x19: {  	s7 =	sld [smem:$0x3F9C]  }
0x1a: {  	s8 =	sadd.s32 $0xFFFFE003, lr  }
0x1b: {  	s9 =	sadd.s32 $0xFFFFFEF7, lr;
	s5 =	simm.s32 $0xFFFFFFFF;
	p2 =	slt.u32 s8, $0xFFFFF086  }
0x1c: {  	p1 =	slt.u32 s9, $0xF7A;
	s5 =	simm.s32 @!p2 $0x0  }
0x1d: {  	s5 =	simm.s32 @p1 $0x1;
	p0 =	seq.s32 s7, s2  }
0x1e: {  	s7 =	smul.u32 @!p0 $0xF7A, s2;
	p2 =	seq.s32 @!p0 s5, $0x0  }
0x1f: {  	s9 =	smul.u32 $0xF7A, s1;
	s8 =	simm.s32 @!p0 $0x1BF5;
	p2 =	por !p2, p0  }
0x20: {  	[sflag:s8] =	ssyncset.s32 @!p0 $0xFFFFF086;
	s6 =	sadd.s32 @!p0 s3, s7;
	s7 =	simm.s32 @!p0 $0x108  }
0x21: {  	s3 =	sadd.s32 s3, s9;
	s6 =	sadd.s32 @!p0 $0x88, s6;
	s7 =	simm.s32 @p2 $0x1082  }
0x22: {  	[simem:s7], [sflag:s8] =	dma.local @!p0 [hbm:s6], $0xF7A  }
0x23: {  	s9 =	sor.u32 $0xD0000000, s2;
	s6 =	simm.s32 $0x108;
	_ =	swait.ge @!p0 [sflag:s8], $0x0  }
0x24: {  	s3 =	sadd.s32 $0x88, s3;
	s6 =	simm.s32 @!p1 $0x1082;
	[sflag:s4] =	ssyncset.s32 $0xFFFFF086  }
0x25: {  	[simem:s6], [sflag:s4] =	dma.local [hbm:s3], $0xF7A  }
0x26: {  	[smem:$0x3F9C] =	sst s1;
	(tag) =	ssettag s2;
	_ =	strace s9  }
0x27: {  	s1 =	sld [smem:$0x3FAC]  }
0x28: {  	s2 =	sld [smem:$0x3FAD]  }
0x29: {  	s4 =	sld [smem:$0x3FAF]  }
0x2a: {  	p0 =	seq.s32 s5, $0x0;
	s5 =	sld [smem:$0x3FB0]  }
0x2b: {  	s6 =	sld [smem:$0x3FB1]  }
0x2c: {  	s7 =	sld [smem:$0x3FB2]  }
0x2d: {  	s3 =	simm.s32 $0x108;
	s8 =	sld [smem:$0x3FB3]  }
0x2e: {  	s3 =	simm.s32 @!p0 $0x1082;
	s9 =	sld [smem:$0x3FB4]  }
0x2f: {  	lr =	sadd.s32 s0, s3;
	s0 =	sld [smem:$0x3FAB]  }
0x30: {  	s3 =	sld [smem:$0x3FAE]  }
0x31: {  	[smem:$0x3FB7] =	sst s10  }
0x32: {  	s10 =	sld [smem:$0x3FB5];
	_ =	sdelay $0x3  }
0x33: {  	p0 =	seq.s32 s10, $0x1;
	s10 =	sld [smem:$0x3FB7];
	_ =	sdelay $0x3  }
0x34: {  	[smem:$0x3FB7] =	sst s10  }
0x35: {  	s10 =	sld [smem:$0x3FB6];
	_ =	sdelay $0x3  }
0x36: {  	p1 =	seq.s32 s10, $0x1;
	s10 =	sld [smem:$0x3FB7];
	_ =	sdelay $0x3  }
0x37: {  	[smem:$0x3FB7] =	sst s10  }
0x38: {  	s10 =	sld [smem:$0x3FB8]  }
0x39: {  	_ = 	snop;
	(pc) =	sbr.ind lr, $3  }
0x3a: {  	_ = 	snop  }
0x3b: {  	_ = 	snop  }
0x3c: {  	p2 =	seq.s32 s10, $0x1;
	s10 =	sld [smem:$0x3FB7]  }
0x3d: {  	_ =	shalt  }
0x3e: {  	_ =	shalt  }
0x3f: {  	_ =	shalt  }
0x40: {  	_ =	shalt  }
0x41: {  	_ =	shalt  }
0x42: {  	_ =	shalt  }
0x43: {  	_ =	shalt  }
0x44: {  	_ =	shalt  }
0x45: {  	_ =	shalt  }
0x46: {  	_ =	shalt  }
0x47: {  	_ =	shalt  }
0x48: {  	_ =	shalt  }
0x49: {  	_ =	shalt  }
0x4a: {  	_ =	shalt  }
0x4b: {  	_ =	shalt  }
0x4c: {  	_ =	shalt  }
0x4d: {  	_ =	shalt  }
0x4e: {  	_ =	shalt  }
0x4f: {  	_ =	shalt  }
0x50: {  	_ =	shalt  }
0x51: {  	_ =	shalt  }
0x52: {  	_ =	shalt  }
0x53: {  	_ =	shalt  }
0x54: {  	_ =	shalt  }
0x55: {  	_ =	shalt  }
0x56: {  	_ =	shalt  }
0x57: {  	_ =	shalt  }
0x58: {  	_ =	shalt  }
0x59: {  	_ =	shalt  }
0x5a: {  	_ =	shalt  }
0x5b: {  	_ =	shalt  }
0x5c: {  	_ =	shalt  }
0x5d: {  	_ =	shalt  }
0x5e: {  	_ =	shalt  }
0x5f: {  	_ =	shalt  }
0x60: {  	_ =	shalt  }
0x61: {  	_ =	shalt  }
0x62: {  	_ =	shalt  }
0x63: {  	_ =	shalt  }
0x64: {  	_ =	shalt  }
0x65: {  	_ =	shalt  }
0x66: {  	_ =	shalt  }
0x67: {  	_ =	shalt  }
0x68: {  	_ =	shalt  }
0x69: {  	_ =	shalt  }
0x6a: {  	_ =	shalt  }
0x6b: {  	_ =	shalt  }
0x6c: {  	_ =	shalt  }
0x6d: {  	_ =	shalt  }
0x6e: {  	_ =	shalt  }
0x6f: {  	_ =	shalt  }
0x70: {  	_ =	shalt  }
0x71: {  	_ =	shalt  }
0x72: {  	_ =	shalt  }
0x73: {  	_ =	shalt  }
0x74: {  	_ =	shalt  }
0x75: {  	_ =	shalt  }
0x76: {  	_ =	shalt  }
0x77: {  	_ =	shalt  }
0x78: {  	_ =	shalt  }
0x79: {  	_ =	shalt  }
0x7a: {  	_ =	shalt  }
0x7b: {  	_ =	shalt  }
0x7c: {  	_ =	shalt  }
0x7d: {  	_ =	shalt  }
0x7e: {  	_ =	shalt  }
0x7f: {  	_ =	shalt  }
0x80: {  	_ =	shalt  }
0x81: {  	_ =	shalt  }
0x82: {  	_ =	shalt  }
0x83: {  	_ =	shalt  }
0x84: {  	_ =	shalt  }
0x85: {  	_ =	shalt  }
0x86: {  	_ =	shalt  }
0x87: {  	_ =	shalt  }
.Lfunc_end0:
.L_simem_size_0:
called_computation_lowered:
.L_overlay_start_0:
0x88: {  	s2 =	sld [smem:$0x3FD9]  }
0x89: {  	s3 =	sld [smem:$0x3FFE];
	_ =	sdelay $0x1  }
0x8a: {  	s1 =	srdreg.scid  }
0x8b: {  	s0 =	sand.u32 $0x1, s1  }
0x8c: {  	s17 =	sshll.u32 s0, $0xA;
	s2 =	sadd.s32 s3, s2  }
0x8d: {  	s2 =	sadd.s32 s2, s17  }
0x8e: {  	[smem:$0x3FC3] =	sst s2  }
0x8f: {  	_ = 	snop  }
0x90: {  	s2 =	sld [smem:$0x3FC5]  }
0x91: {  	s18 =	sld [smem:$0x3FD0];
	(tm) =	ssettm $0x1  }
0x92: {  	s4 =	sld [smem:$0x3FFB];
	_ =	sdelay $0x3  }
0x93: {  	_ =	strace s4  }
0x94: {  	s4 =	sld [smem:$0x3FFC];
	_ =	sdelay $0x3  }
0x95: {  	_ =	strace s4  }
0x96: {  	s4 =	sld [smem:$0x3FFD];
	_ =	sdelay $0x3  }
0x97: {  	_ =	strace s4  }
0x98: {  	_ =	strace $0x8FFFFFFF  }
0x99: {  	s19 =	sld [smem:$0x3FDB];
	_ =	sdelay $0x1  }
0x9a: {  	s5 =	simm.s32 $_scs_section_size  }
0x9b: {  	s6 =	simm.s32 $_size__tile_overlayer_lowered;
	s7 =	simm.s32 $_tile_overlayer_lowered  }
0x9c: {  	s22 =	simm.s32 $0x1BFF;
	s21 =	sshll.u32 s7, $0x1;
	s4 =	sadd.s32 s5, s19  }
0x9d: {  	s8 =	simm.s32 $0x0;
	s20 =	sshll.u32 s6, $0x1;
	s6 =	sadd.s32 s21, s4  }
0x9e: {  	[timem:s8], [sflag:s22] =	dma.local [hbm:s6], s20  }
0x9f: {  	_ =	swait.ge [sflag:s22], s20  }
0xa0: {  	s5 =	ssub.s32 $0x0, s20;
	[sflag:s22] =	ssyncset.done $0x0  }
0xa1: {  	[sflag:s22] =	ssyncadd.s32 s5;
	_ =	sdelay $0x1  }
0xa2: {  	s23 =	simm.s32 $0x1B8B  }
0xa3: {  	_ =	swait.ge [sflag:s23], $0x1  }
0xa4: {  	[sflag:s23] =	ssyncset.done $0x0  }
0xa5: {  	s25 =	simm.s32 $0x1B8E;
	s24 =	sld [smem:$0x3FFE];
	[sflag:s23] =	ssyncadd.s32 $0xFFFFFFFF  }
0xa6: {  	s26 =	simm.s32 $execute0_lowered;
	[smem:$0x3FD2] =	sst s25  }
0xa7: {  	s6 =	sshll.u32 s26, $0x1;
	_ =	strace $0x80000046;
	[dreg:$0x1] =	wrdreg $0xFFFFFFFF  }
0xa8: {  	s28 =	simm.s32 $_size_execute0_lowered;
	s4 =	sadd.s32 s4, s6;
	[dreg:$0x0] =	wrdreg $0x0  }
0xa9: {  	s6 =	sshll.u32 s28, $0x1;
	[dreg:$0x2] =	wrdreg s4  }
0xaa: {  	[dreg:$0x3] =	wrdreg s6  }
0xab: {  	[dreg:$0x4] =	wrdreg $0xC0  }
0xac: {  	_ =	task [dreg:s8], $0x5FFFF  }
0xad: {  	[dreg:$0x1] =	wrdreg $0xFFFFFFFF  }
0xae: {  	[dreg:$0x0] =	wrdreg $0x60  }
0xaf: {  	[dreg:$0x2] =	wrdreg s18  }
0xb0: {  	[dreg:$0x3] =	wrdreg s2  }
0xb1: {  	[dreg:$0x4] =	wrdreg s24  }
0xb2: {  	[dreg:$0x5] =	wrdreg $0x9  }
0xb3: {  	_ =	task.clear_ibuf [dreg:s8], $0x6FFFF;
	_ =	strace $0x90000046  }
0xb4: {  	s29 =	simm.s32 $0x9;
	_ =	strace $0x80000048  }
0xb5: {  	_ =	swait.ge [sflag:s29], $0x1  }
0xb6: {  	[sflag:s29] =	ssyncadd.s32 $0xFFFFFFFF  }
0xb7: {  	_ =	strace $0x90000048  }
0xb8: {  	_ =	sfence  }
0xb9: {  	s30 =	sld [smem:$0x0];
	_ =	sdelay $0x2  }
0xba: {  	s31 =	sshll.u32 s1, $0xD;
	s1 =	sshrl.u32 s1, $0x2  }
0xbb: {  	s3 =	sand.u32 $0x4000, s31;
	s1 =	sadd.s32 s1, s30  }
0xbc: {  	s0 =	sor.u32 s3, s0;
	s1 =	sshll.u32 s1, $0x11  }
0xbd: {  	s0 =	sor.u32 s1, s0  }
0xbe: {  	s0 =	sadd.s32 $0x8F2B, s0  }
0xbf: {  	[sflag:s0] =	ssyncadd.remote.s32 $0x1  }
0xc0: {  	_ =	sfence.sel $0xFFFF  }
0xc1: {  	[dreg:$0x0] =	wrdreg $0xFFFFFFFF;
	(pc) =	sbr.abs _section_cstart, $3  }
0xc2: {  	[dreg:$0x1] =	wrdreg $0xFFFFFFFF  }
0xc3: {  	_ =	task.clear_ibuf [dreg:s8], $0x2FFFF;
	_ =	strace $0x9FFFFFFF  }
0xc4: {  	(tm) =	ssettm $0x7FFFFFFF  }
0xc5: {  	_ =	shalt  }
tec
execute0_lowered:
.L_overlay_start_1:
0x0: {  	(tag) =	ssettag $0x1  }
0x1: {  	s0 =	rddreg [dreg:$0x0]  }
0x2: {  	s2 =	rddreg [dreg:$0x1]  }
0x3: {  	s1 =	rddreg [dreg:$0x2]  }
0x4: {  	s7 =	stileid.u32;
	s4 =	srdreg.scid;
	s3 =	simm.s32 $0x0  }
0x5: {  	s24 =	simm.s32 $0x900;
	s25 =	simm.s32 $0x1100;
	s26 =	simm.s32 $0x1900  }
0x6: {  	s11 =	simm.s32 $0x3900;
	s12 =	simm.s32 $0x4100;
	s13 =	simm.s32 $0x4900  }
0x7: {  	s14 =	simm.s32 $0x5100;
	s15 =	simm.s32 $0x5900;
	s16 =	simm.s32 $0x6100  }
0x8: {  	s17 =	simm.s32 $0x6900;
	s18 =	simm.s32 $0x7100;
	s28 =	simm.s32 $0xB900  }
0x9: {  	s29 =	simm.s32 $0xC100;
	s30 =	simm.s32 $0x1;
	s31 =	simm.s32 $0x0  }
0xa: {  	s4 =	sand.u32 $0x1, s4;
	s5 =	smul.u32 $0xC80, s7;
	[smem:$0x7FF] =	sst s3  }
0xb: {  	s7 =	smul.u32 $0x19000, s7;
	_ =	strace $0x80000047;
	[dreg:$0x5] =	wrdreg s24  }
0xc: {  	s6 =	smul.u32 $0x640, s4;
	s8 =	ssub.s32 $0x2, s4;
	[dreg:$0x6] =	wrdreg s25  }
0xd: {  	s10 =	smul.u32 $0xC800, s4;
	[dreg:$0x7] =	wrdreg s26;
	s24 =	simm.s32 $0xA100  }
0xe: {  	s25 =	simm.s32 $0xA900;
	s26 =	simm.s32 $0xB100;
	s9 =	sshrl.u32 s8, $0x1  }
0xf: {  	s1 =	sadd.s32 s7, s1;
	s7 =	simm.s32 $0x100;
	s19 =	sadd.s32 s6, s5  }
0x10: {  	s20 =	ssub.s32 s8, s9;
	s1 =	sadd.s32 s10, s1;
	s8 =	simm.s32 $0x2100  }
0x11: {  	s9 =	simm.s32 $0x2900;
	s10 =	simm.s32 $0x3100;
	s6 =	sshrl.u32 s19, $0x3  }
0x12: {  	s21 =	smax.u32 s20, $0x1;
	s23 =	sadd.s32 $0x800, s1;
	s19 =	simm.s32 $0x7900  }
0x13: {  	v2 =	vlaneseq.u32;
	s20 =	simm.s32 $0x8100;
	[dreg:$0x8] =	wrdreg s21;
	s22 =	sadd.s32 s6, s0  }
0x14: {  	vm0 =	vmmov $0xffff;
	v1 =	vshrl.u32 v2, $0x3;
	[dreg:$0x9] =	wrdreg s23;
	s6 =	simm.s32 $0x2;
	s21 =	simm.s32 $0x8900  }
0x15: {  	v0 =	vand.u32 $0x7, v2;
	v2 =	vor.u32 $0x8, v2;
	v1 =	vmul.u32 $0x8, v1;
	s23 =	simm.s32 $0x9900;
	[dreg:$0x4] =	wrdreg s22;
	s22 =	simm.s32 $0x9100  }
.LBB2_1:
0x16: {  	s5 =	rddreg [dreg:$0x9];
	s1 =	simm.s32 $0x0  }
.LBB2_2:
0x17: {  	s4 =	rddreg [dreg:$0x4]  }
0x18: {  	s4 =	sadd.s32 s1, s4  }
0x19: {  	[tilespmem:s3], [sflag:$0x2] =	stream.linear.gather [hbm4b:s4+s3], $0xC8, $0x38;
	[tilespmem:$0xC900] =	vst v63  }
0x1a: {  	_ =	swait.ge [sflag:s6], $0xC8  }
0x1b: {  	[sflag:s6] =	ssyncset.done $0x0  }
0x1c: {  	[sflag:s6] =	ssyncadd.s32 $0xFFFFFF38  }
0x1d: {  	v3 =	vld [tilespmem:$0x0];
	_ =	sdelay $0x4  }
0x1e: {  	v4 =	vshll.u32 v3, $0x1  }
0x1f: {  	v3 =	vand.u32 $0x7, v3;
	v4 =	vand.u32 $0xFFFFFFF0, v4  }
0x20: {  	v3 =	vor.u32 v3, v4  }
0x21: {  	v4 =	vperm.xlane v3, v0;
	_ =	sdelay $0x1  }
0x22: {  	v3 =	vperm.xlane v3, v2;
	v4 =	vadd.s32 v1, v4;
	_ =	sdelay $0x1  }
0x23: {  	v3 =	vadd.s32 v1, v3;
	_ =	sdelay $0x2  }
0x24: {  	[tilespmem:s7], [sflag:$0x1] =	stream.indirect_vreg.gather [hbm4b:s2+s3], $0x80, v4, vm0, $0xb8;
	[tilespmem:$0xC900] =	vst v63  }
0x25: {  	s0 =	rddreg [dreg:$0x5]  }
0x26: {  	[tilespmem:s0], [sflag:$0x1] =	stream.indirect_vreg.gather [hbm4b:s2+s3], $0x80, v3, vm0, $0xb8;
	[tilespmem:$0xC900] =	vst v63  }
0x27: {  	v3 =	vld [tilespmem:$0x10];
	_ =	sdelay $0x4  }
0x28: {  	v52 =	vshll.u32 v3, $0x1  }
0x29: {  	v3 =	vand.u32 $0x7, v3;
	v4 =	vand.u32 $0xFFFFFFF0, v52  }
0x2a: {  	v3 =	vor.u32 v3, v4  }
0x2b: {  	v4 =	vperm.xlane v3, v0;
	_ =	sdelay $0x1  }
0x2c: {  	v3 =	vperm.xlane v3, v2;
	v4 =	vadd.s32 v1, v4;
	_ =	sdelay $0x1  }
0x2d: {  	v3 =	vadd.s32 v1, v3;
	_ =	sdelay $0x1  }
0x2e: {  	s4 =	rddreg [dreg:$0x6]  }
0x2f: {  	[tilespmem:s4], [sflag:$0x1] =	stream.indirect_vreg.gather [hbm4b:s2+s3], $0x80, v4, vm0, $0xb8;
	[tilespmem:$0xC900] =	vst v63  }
0x30: {  	s0 =	rddreg [dreg:$0x7]  }
0x31: {  	[tilespmem:s0], [sflag:$0x1] =	stream.indirect_vreg.gather [hbm4b:s2+s3], $0x80, v3, vm0, $0xb8;
	[tilespmem:$0xC900] =	vst v63  }
0x32: {  	v3 =	vld [tilespmem:$0x20];
	_ =	sdelay $0x4  }
0x33: {  	v53 =	vshll.u32 v3, $0x1  }
0x34: {  	v3 =	vand.u32 $0x7, v3;
	v4 =	vand.u32 $0xFFFFFFF0, v53  }
0x35: {  	v3 =	vor.u32 v3, v4  }
0x36: {  	v4 =	vperm.xlane v3, v0;
	_ =	sdelay $0x1  }
0x37: {  	v3 =	vperm.xlane v3, v2;
	v4 =	vadd.s32 v1, v4;
	_ =	sdelay $0x1  }
0x38: {  	v3 =	vadd.s32 v1, v3;
	_ =	sdelay $0x2  }
0x39: {  	[tilespmem:s8], [sflag:$0x1] =	stream.indirect_vreg.gather [hbm4b:s2+s3], $0x80, v4, vm0, $0xb8;
	[tilespmem:$0xC900] =	vst v63  }
0x3a: {  	_ = 	snop  }
0x3b: {  	[tilespmem:s9], [sflag:$0x1] =	stream.indirect_vreg.gather [hbm4b:s2+s3], $0x80, v3, vm0, $0xb8;
	[tilespmem:$0xC900] =	vst v63  }
0x3c: {  	v3 =	vld [tilespmem:$0x30];
	_ =	sdelay $0x4  }
0x3d: {  	v54 =	vshll.u32 v3, $0x1  }
0x3e: {  	v3 =	vand.u32 $0x7, v3;
	v4 =	vand.u32 $0xFFFFFFF0, v54  }
0x3f: {  	v3 =	vor.u32 v3, v4  }
0x40: {  	v4 =	vperm.xlane v3, v0;
	_ =	sdelay $0x1  }
0x41: {  	v3 =	vperm.xlane v3, v2;
	v4 =	vadd.s32 v1, v4;
	_ =	sdelay $0x1  }
0x42: {  	v3 =	vadd.s32 v1, v3;
	_ =	sdelay $0x2  }
0x43: {  	[tilespmem:s10], [sflag:$0x1] =	stream.indirect_vreg.gather [hbm4b:s2+s3], $0x80, v4, vm0, $0xb8;
	[tilespmem:$0xC900] =	vst v63  }
0x44: {  	_ = 	snop  }
0x45: {  	[tilespmem:s11], [sflag:$0x1] =	stream.indirect_vreg.gather [hbm4b:s2+s3], $0x80, v3, vm0, $0xb8;
	[tilespmem:$0xC900] =	vst v63  }
0x46: {  	v3 =	vld [tilespmem:$0x40];
	_ =	sdelay $0x4  }
0x47: {  	v55 =	vshll.u32 v3, $0x1  }
0x48: {  	v3 =	vand.u32 $0x7, v3;
	v4 =	vand.u32 $0xFFFFFFF0, v55  }
0x49: {  	v3 =	vor.u32 v3, v4  }
0x4a: {  	v4 =	vperm.xlane v3, v0;
	_ =	sdelay $0x1  }
0x4b: {  	v3 =	vperm.xlane v3, v2;
	v4 =	vadd.s32 v1, v4;
	_ =	sdelay $0x1  }
0x4c: {  	v3 =	vadd.s32 v1, v3;
	_ =	sdelay $0x2  }
0x4d: {  	[tilespmem:s12], [sflag:$0x1] =	stream.indirect_vreg.gather [hbm4b:s2+s3], $0x80, v4, vm0, $0xb8;
	[tilespmem:$0xC900] =	vst v63  }
0x4e: {  	_ = 	snop  }
0x4f: {  	[tilespmem:s13], [sflag:$0x1] =	stream.indirect_vreg.gather [hbm4b:s2+s3], $0x80, v3, vm0, $0xb8;
	[tilespmem:$0xC900] =	vst v63  }
0x50: {  	v3 =	vld [tilespmem:$0x50];
	_ =	sdelay $0x4  }
0x51: {  	v56 =	vshll.u32 v3, $0x1  }
0x52: {  	v3 =	vand.u32 $0x7, v3;
	v4 =	vand.u32 $0xFFFFFFF0, v56  }
0x53: {  	v3 =	vor.u32 v3, v4  }
0x54: {  	v4 =	vperm.xlane v3, v0;
	_ =	sdelay $0x1  }
0x55: {  	v3 =	vperm.xlane v3, v2;
	v4 =	vadd.s32 v1, v4;
	_ =	sdelay $0x1  }
0x56: {  	v3 =	vadd.s32 v1, v3;
	_ =	sdelay $0x2  }
0x57: {  	[tilespmem:s14], [sflag:$0x1] =	stream.indirect_vreg.gather [hbm4b:s2+s3], $0x80, v4, vm0, $0xb8;
	[tilespmem:$0xC900] =	vst v63  }
0x58: {  	_ = 	snop  }
0x59: {  	[tilespmem:s15], [sflag:$0x1] =	stream.indirect_vreg.gather [hbm4b:s2+s3], $0x80, v3, vm0, $0xb8;
	[tilespmem:$0xC900] =	vst v63  }
0x5a: {  	v3 =	vld [tilespmem:$0x60];
	_ =	sdelay $0x4  }
0x5b: {  	v57 =	vshll.u32 v3, $0x1  }
0x5c: {  	v3 =	vand.u32 $0x7, v3;
	v4 =	vand.u32 $0xFFFFFFF0, v57  }
0x5d: {  	v3 =	vor.u32 v3, v4  }
0x5e: {  	v4 =	vperm.xlane v3, v0;
	_ =	sdelay $0x1  }
0x5f: {  	v3 =	vperm.xlane v3, v2;
	v4 =	vadd.s32 v1, v4;
	_ =	sdelay $0x1  }
0x60: {  	v3 =	vadd.s32 v1, v3;
	_ =	sdelay $0x2  }
0x61: {  	[tilespmem:s16], [sflag:$0x1] =	stream.indirect_vreg.gather [hbm4b:s2+s3], $0x80, v4, vm0, $0xb8;
	[tilespmem:$0xC900] =	vst v63  }
0x62: {  	_ = 	snop  }
0x63: {  	[tilespmem:s17], [sflag:$0x1] =	stream.indirect_vreg.gather [hbm4b:s2+s3], $0x80, v3, vm0, $0xb8;
	[tilespmem:$0xC900] =	vst v63  }
0x64: {  	v3 =	vld [tilespmem:$0x70];
	_ =	sdelay $0x4  }
0x65: {  	v58 =	vshll.u32 v3, $0x1  }
0x66: {  	v3 =	vand.u32 $0x7, v3;
	v4 =	vand.u32 $0xFFFFFFF0, v58  }
0x67: {  	v3 =	vor.u32 v3, v4  }
0x68: {  	v4 =	vperm.xlane v3, v0;
	_ =	sdelay $0x1  }
0x69: {  	v3 =	vperm.xlane v3, v2;
	v4 =	vadd.s32 v1, v4;
	_ =	sdelay $0x1  }
0x6a: {  	v3 =	vadd.s32 v1, v3;
	_ =	sdelay $0x2  }
0x6b: {  	[tilespmem:s18], [sflag:$0x1] =	stream.indirect_vreg.gather [hbm4b:s2+s3], $0x80, v4, vm0, $0xb8;
	[tilespmem:$0xC900] =	vst v63  }
0x6c: {  	_ = 	snop  }
0x6d: {  	[tilespmem:s19], [sflag:$0x1] =	stream.indirect_vreg.gather [hbm4b:s2+s3], $0x80, v3, vm0, $0xb8;
	[tilespmem:$0xC900] =	vst v63  }
0x6e: {  	v3 =	vld [tilespmem:$0x80];
	_ =	sdelay $0x4  }
0x6f: {  	v59 =	vshll.u32 v3, $0x1  }
0x70: {  	v3 =	vand.u32 $0x7, v3;
	v4 =	vand.u32 $0xFFFFFFF0, v59  }
0x71: {  	v3 =	vor.u32 v3, v4  }
0x72: {  	v4 =	vperm.xlane v3, v0;
	_ =	sdelay $0x1  }
0x73: {  	v3 =	vperm.xlane v3, v2;
	v4 =	vadd.s32 v1, v4;
	_ =	sdelay $0x1  }
0x74: {  	v3 =	vadd.s32 v1, v3;
	_ =	sdelay $0x2  }
0x75: {  	[tilespmem:s20], [sflag:$0x1] =	stream.indirect_vreg.gather [hbm4b:s2+s3], $0x80, v4, vm0, $0xb8;
	[tilespmem:$0xC900] =	vst v63  }
0x76: {  	_ = 	snop  }
0x77: {  	[tilespmem:s21], [sflag:$0x1] =	stream.indirect_vreg.gather [hbm4b:s2+s3], $0x80, v3, vm0, $0xb8;
	[tilespmem:$0xC900] =	vst v63  }
0x78: {  	v3 =	vld [tilespmem:$0x90];
	_ =	sdelay $0x4  }
0x79: {  	v60 =	vshll.u32 v3, $0x1  }
0x7a: {  	v3 =	vand.u32 $0x7, v3;
	v4 =	vand.u32 $0xFFFFFFF0, v60  }
0x7b: {  	v3 =	vor.u32 v3, v4  }
0x7c: {  	v4 =	vperm.xlane v3, v0;
	_ =	sdelay $0x1  }
0x7d: {  	v3 =	vperm.xlane v3, v2;
	v4 =	vadd.s32 v1, v4;
	_ =	sdelay $0x1  }
0x7e: {  	v3 =	vadd.s32 v1, v3;
	_ =	sdelay $0x2  }
0x7f: {  	[tilespmem:s22], [sflag:$0x1] =	stream.indirect_vreg.gather [hbm4b:s2+s3], $0x80, v4, vm0, $0xb8;
	[tilespmem:$0xC900] =	vst v63  }
0x80: {  	_ = 	snop  }
0x81: {  	[tilespmem:s23], [sflag:$0x1] =	stream.indirect_vreg.gather [hbm4b:s2+s3], $0x80, v3, vm0, $0xb8;
	[tilespmem:$0xC900] =	vst v63  }
0x82: {  	v3 =	vld [tilespmem:$0xA0];
	_ =	sdelay $0x4  }
0x83: {  	v61 =	vshll.u32 v3, $0x1  }
0x84: {  	v3 =	vand.u32 $0x7, v3;
	v4 =	vand.u32 $0xFFFFFFF0, v61  }
0x85: {  	v3 =	vor.u32 v3, v4  }
0x86: {  	v4 =	vperm.xlane v3, v0;
	_ =	sdelay $0x1  }
0x87: {  	v3 =	vperm.xlane v3, v2;
	v4 =	vadd.s32 v1, v4;
	_ =	sdelay $0x1  }
0x88: {  	v3 =	vadd.s32 v1, v3;
	_ =	sdelay $0x2  }
0x89: {  	[tilespmem:s24], [sflag:$0x1] =	stream.indirect_vreg.gather [hbm4b:s2+s3], $0x80, v4, vm0, $0xb8;
	[tilespmem:$0xC900] =	vst v63  }
0x8a: {  	_ = 	snop  }
0x8b: {  	[tilespmem:s25], [sflag:$0x1] =	stream.indirect_vreg.gather [hbm4b:s2+s3], $0x80, v3, vm0, $0xb8;
	[tilespmem:$0xC900] =	vst v63  }
0x8c: {  	v3 =	vld [tilespmem:$0xB0];
	_ =	sdelay $0x4  }
0x8d: {  	v62 =	vshll.u32 v3, $0x1  }
0x8e: {  	v3 =	vand.u32 $0x7, v3;
	v4 =	vand.u32 $0xFFFFFFF0, v62  }
0x8f: {  	v3 =	vor.u32 v3, v4  }
0x90: {  	v4 =	vperm.xlane v3, v0;
	_ =	sdelay $0x1  }
0x91: {  	v3 =	vperm.xlane v3, v2;
	v4 =	vadd.s32 v1, v4;
	_ =	sdelay $0x1  }
0x92: {  	v3 =	vadd.s32 v1, v3;
	_ =	sdelay $0x2  }
0x93: {  	[tilespmem:s26], [sflag:$0x1] =	stream.indirect_vreg.gather [hbm4b:s2+s3], $0x80, v4, vm0, $0xb8;
	[tilespmem:$0xC900] =	vst v63  }
0x94: {  	_ = 	snop  }
0x95: {  	[tilespmem:s28], [sflag:$0x1] =	stream.indirect_vreg.gather [hbm4b:s2+s3], $0x80, v3, vm0, $0xb8;
	[tilespmem:$0xC900] =	vst v63  }
0x96: {  	v3 =	vld.msk [tilespmem:$0xC0], $0xff;
	_ =	sdelay $0x4  }
0x97: {  	v63 =	vshll.u32 v3, $0x1  }
0x98: {  	v3 =	vand.u32 $0x7, v3;
	v4 =	vand.u32 $0xFFFFFFF0, v63  }
0x99: {  	v3 =	vor.u32 v3, v4  }
0x9a: {  	v3 =	vperm.xlane v3, v0;
	_ =	sdelay $0x1  }
0x9b: {  	v3 =	vadd.s32 v1, v3;
	_ =	sdelay $0x4  }
0x9c: {  	[tilespmem:s29], [sflag:$0x1] =	stream.indirect_vreg.gather [hbm4b:s2+s3], $0x80, v3, vm0, $0xb8;
	[tilespmem:$0xC900] =	vst v63  }
0x9d: {  	_ =	swait.ge [sflag:s30], $0xC800  }
0x9e: {  	p0 =	sne.s32 s1, $0xAF;
	[sflag:s30] =	ssyncset.done $0x0  }
.Ltmp0:
0x9f: {  	[sflag:s30] =	ssyncadd.s32 $0xFFFF3800;
	(pc) =	sbr.rel @p0 .LBB2_2-.Ltmp0, $4  }
0xa0: {  	[hbm4b:s5+s3] =	stream.linear.scatter [tilespmem:s7], [sflag:$0x2], $0xC800, $0x38;
	[tilespmem:$0xC900] =	vst v63  }
0xa1: {  	_ =	swait.ge [sflag:s6], $0xC800  }
0xa2: {  	[sflag:s6] =	ssyncset.done $0x0  }
0xa3: {  	s1 =	sadd.s32 $0x19, s1;
	s5 =	sadd.s32 $0x1900, s5;
	[sflag:s6] =	ssyncadd.s32 $0xFFFF3800  }
0xa4: {  	s31 =	sadd.s32 $0x1, s31;
	s0 =	rddreg [dreg:$0x8]  }
0xa5: {  	p0 =	sne.s32 s31, s0  }
.Ltmp1:
0xa6: {  	_ = 	snop;
	(pc) =	sbr.rel @p0 .LBB2_1-.Ltmp1, $1  }
0xa7: {  	_ =	sdelay $0x3  }
0xa8: {  	_ =	sfence.sel $0x180000  }
0xa9: {  	[bflag:$0x0] =	sbarrier.arrive $0xFFFF  }
0xaa: {  	_ =	strace $0x90000047  }
0xab: {  	s0 =	stileid.u32;
	[bflag:$0x2] =	sbarrier.arrive $0xFFFF  }
0xac: {  	p0 =	sne.s32 s0, $0x0;
	s0 =	rddreg [dreg:$0x3]  }
0xad: {  	s0 =	sadd.s32 @!p0 $0x100000, s0  }
0xae: {  	[sflag:s0] =	ssyncadd.tile.s32 @!p0 $0x1;
	_ =	shalt  }
.Lfunc_end2:
_tile_overlayer_lowered:
.L_overlay_start_2:
0xaf: {  	(tag) =	ssettag $0x2  }
0xb0: {  	s0 =	rddreg [dreg:$0x0];
	s2 =	stileid.u32  }
0xb1: {  	s1 =	rddreg [dreg:$0x1];
	p0 =	sne.s32 s2, $0x0  }
0xb2: {  	s3 =	rddreg [dreg:$0x2];
	[bflag:$0x3] =	sbarrier.arrive $0xFFFF;
	s2 =	simm.s32 @!p0 $0x1C02  }
0xb3: {  	[timem:s3], [sflag:s2] =	dma.local @!p0 [hbm:s0], s1  }
0xb4: {  	s0 =	simm.s32 @!p0 $0x2  }
0xb5: {  	_ =	swait.ge @!p0 [sflag:s0], s1  }
0xb6: {  	s1 =	ssub.s32 @!p0 $0x0, s1;
	[sflag:s0] =	ssyncset.done @!p0 $0x0  }
0xb7: {  	[sflag:s0] =	ssyncadd.s32 @!p0 s1  }
0xb8: {  	[bflag:$0x3] =	sbarrier.arrive $0xFFFF  }
0xb9: {  	_ =	shalt  }

</sc_bundles>
